<compile_context>
chip_gen: v7x
topology: tpu7x:2x2x1
jax: 0.10.2.dev20260603
libtpu: 0.0.44.dev20260713+nightly
codegen_flags: <defaults>
</compile_context>

<pallas_src>
import jax
import jax.numpy as jnp
from jax import lax
from jax.experimental import pallas as pl
from jax.experimental.pallas import tpu as pltpu
from jax.experimental.pallas import tpu_sc as plsc

N_NODES = 100000
B_SAMPLES = 64

_LANES = 16
_CHUNK = 3136
_VECS = _CHUNK // _LANES


def _sc_body(ft, lat_hbm, bid_hbm, ot,
             table_v, bid_v, fx_v, fy_v, fz_v, ox_v, oy_v, oz_v, sem):
    wid = lax.axis_index("s") * 2 + lax.axis_index("c")
    base = lax.min(wid * _CHUNK, N_NODES - _CHUNK)

    cps = [
        pltpu.async_copy(lat_hbm, table_v, sem),
        pltpu.async_copy(bid_hbm.at[pl.ds(base, _CHUNK)], bid_v, sem),
        pltpu.async_copy(ft.at[pl.ds(base, _CHUNK)], fx_v, sem),
        pltpu.async_copy(ft.at[pl.ds(N_NODES + base, _CHUNK)], fy_v, sem),
        pltpu.async_copy(ft.at[pl.ds(2 * N_NODES + base, _CHUNK)], fz_v, sem),
    ]
    for cp in cps:
        cp.wait()

    @plsc.parallel_loop(0, _VECS, unroll=2)
    def step(i):
        sl = pl.ds(i * _LANES, _LANES)
        b9 = bid_v[sl] * 9
        f0 = fx_v[sl]
        f1 = fy_v[sl]
        f2 = fz_v[sl]
        o_refs = (ox_v, oy_v, oz_v)
        for k in range(3):
            a0 = plsc.load_gather(table_v, [b9 + k])
            a1 = plsc.load_gather(table_v, [b9 + (3 + k)])
            a2 = plsc.load_gather(table_v, [b9 + (6 + k)])
            o_refs[k][sl] = f0 * a0 + f1 * a1 + f2 * a2

    ocps = [
        pltpu.async_copy(ox_v, ot.at[pl.ds(base, _CHUNK)], sem),
        pltpu.async_copy(oy_v, ot.at[pl.ds(N_NODES + base, _CHUNK)], sem),
        pltpu.async_copy(oz_v, ot.at[pl.ds(2 * N_NODES + base, _CHUNK)], sem),
    ]
    for cp in ocps:
        cp.wait()


@jax.jit
def _run(frac_coords, lattice_matrices, batch_id):
    mesh = plsc.VectorSubcoreMesh(core_axis_name="c", subcore_axis_name="s")
    ot = pl.kernel(
        _sc_body,
        out_type=jax.ShapeDtypeStruct((3 * N_NODES,), jnp.float32),
        mesh=mesh,
        scratch_types=[
            pltpu.VMEM((B_SAMPLES * 9,), jnp.float32),
            pltpu.VMEM((_CHUNK,), jnp.int32),
        ] + [pltpu.VMEM((_CHUNK,), jnp.float32)] * 6
          + [pltpu.SemaphoreType.DMA],
        compiler_params=pltpu.CompilerParams(needs_layout_passes=False),
    )(frac_coords.T.reshape(-1),
      lattice_matrices.reshape(-1).astype(jnp.float32),
      batch_id.astype(jnp.int32))
    return ot.reshape(3, N_NODES).T


def kernel(frac_coords, lattice_matrices, batch_id):
    return _run(frac_coords, lattice_matrices, batch_id)

# --- scband reference (transcript-rebuilt; emitter-appended) ---
"""Pipeline reference for scband-frac-to-real-coordinates-67559835566338 (READ-ONLY COPY).

The authoritative reference and input builder live on the scoring server;
editing this copy changes nothing except your own understanding.
"""

import jax, jax.numpy as jnp
import numpy as np

N = 100000
B = 64

def setup_inputs(seed: int = 0) -> dict:
    key = jax.random.key(seed)
    k1, k2, k3 = jax.random.split(key, 3)
    frac_coords = jax.random.uniform(k1, (N, 3), dtype=jnp.float32)
    lattice_matrices = jax.random.normal(k2, (B, 3, 3), dtype=jnp.float32)
    batch_id = jnp.sort(jax.random.randint(k3, (N,), 0, B, dtype=jnp.int64))
    return {"frac_coords": frac_coords, "lattice_matrices": lattice_matrices, "batch_id": batch_id}

def reference(frac_coords, lattice_matrices, batch_id):
    # GatherState: per-node lookup of the sample's lattice matrix
    lattice_per_node = jnp.take(lattice_matrices, batch_id, axis=0)  # (N, 3, 3)
    # frac -> real: r_k = sum_j f_j A_jk  (lattice vectors in rows)
    frac_to_real = jnp.einsum('ij,ijk->ik', frac_coords, lattice_per_node)
    return frac_to_real

if __name__ == "__main__":
    import jax
    _d = setup_inputs()
    print(jax.jit(kernel)(*tuple(_d.values())))

</pallas_src>

<mosaic_0001>
#map = affine_map<(d0, d1) -> (0)>
module attributes {stable_mosaic.version = 14 : i64} {
  func.func @_sc_body(%arg0: i32, %arg1: i32, %arg2: memref<300000xf32, #tpu.memory_space<hbm>>, %arg3: memref<576xf32, #tpu.memory_space<hbm>>, %arg4: memref<100000xi32, #tpu.memory_space<hbm>>, %arg5: memref<300000xf32, #tpu.memory_space<hbm>>, %arg6: memref<576xf32, #tpu.memory_space<vmem>>, %arg7: memref<3136xi32, #tpu.memory_space<vmem>>, %arg8: memref<3136xf32, #tpu.memory_space<vmem>>, %arg9: memref<3136xf32, #tpu.memory_space<vmem>>, %arg10: memref<3136xf32, #tpu.memory_space<vmem>>, %arg11: memref<3136xf32, #tpu.memory_space<vmem>>, %arg12: memref<3136xf32, #tpu.memory_space<vmem>>, %arg13: memref<3136xf32, #tpu.memory_space<vmem>>, %arg14: memref<!tpu.dma_semaphore, #tpu.memory_space<semaphore_mem>>) attributes {dimension_semantics = [#tpu.dimension_semantics<core_parallel>, #tpu.dimension_semantics<subcore_parallel>], iteration_bounds = array<i64: 2, 16>, scalar_prefetch = 0 : i64, scratch_operands = 9 : i64, tpu.core_type = #tpu.core_type<sc_vector_subcore>, window_params = [{transform_indices = #map}, {transform_indices = #map}, {transform_indices = #map}, {transform_indices = #map}]} {
    %mul3A = arith.constant 2 : i32
    %mul3A_0 = arith.muli %arg1, %mul3A : i32
    %add3A = arith.addi %mul3A_0, %arg0 : i32
    %mul3A_1 = arith.constant 3136 : i32
    %mul3A_2 = arith.muli %add3A, %mul3A_1 : i32
    %min3A = arith.constant 96864 : i32
    %min3A_3 = arith.minsi %mul3A_2, %min3A : i32
    tpu.enqueue_dma source(%arg3 : memref<576xf32, #tpu.memory_space<hbm>>) target(%arg6 : memref<576xf32, #tpu.memory_space<vmem>>) target_semaphore(%arg14 : memref<!tpu.dma_semaphore, #tpu.memory_space<semaphore_mem>>)
    %dma_start3A = tpu.memref_slice %arg4[%min3A_3] : memref<100000xi32, #tpu.memory_space<hbm>> -> memref<3136xi32, #tpu.memory_space<hbm>>
    %dma_start3A_4 = tpu.memref_slice %arg4[%min3A_3] : memref<100000xi32, #tpu.memory_space<hbm>> -> memref<3136xi32, #tpu.memory_space<hbm>>
    tpu.enqueue_dma source(%dma_start3A_4 : memref<3136xi32, #tpu.memory_space<hbm>>) target(%arg7 : memref<3136xi32, #tpu.memory_space<vmem>>) target_semaphore(%arg14 : memref<!tpu.dma_semaphore, #tpu.memory_space<semaphore_mem>>)
    %dma_start3A_5 = tpu.memref_slice %arg2[%min3A_3] : memref<300000xf32, #tpu.memory_space<hbm>> -> memref<3136xf32, #tpu.memory_space<hbm>>
    %dma_start3A_6 = tpu.memref_slice %arg2[%min3A_3] : memref<300000xf32, #tpu.memory_space<hbm>> -> memref<3136xf32, #tpu.memory_space<hbm>>
    tpu.enqueue_dma source(%dma_start3A_6 : memref<3136xf32, #tpu.memory_space<hbm>>) target(%arg8 : memref<3136xf32, #tpu.memory_space<vmem>>) target_semaphore(%arg14 : memref<!tpu.dma_semaphore, #tpu.memory_space<semaphore_mem>>)
    %add3A_7 = arith.constant 100000 : i32
    %add3A_8 = arith.addi %add3A_7, %min3A_3 : i32
    %dma_start3A_9 = tpu.memref_slice %arg2[%add3A_8] : memref<300000xf32, #tpu.memory_space<hbm>> -> memref<3136xf32, #tpu.memory_space<hbm>>
    %dma_start3A_10 = tpu.memref_slice %arg2[%add3A_8] : memref<300000xf32, #tpu.memory_space<hbm>> -> memref<3136xf32, #tpu.memory_space<hbm>>
    tpu.enqueue_dma source(%dma_start3A_10 : memref<3136xf32, #tpu.memory_space<hbm>>) target(%arg9 : memref<3136xf32, #tpu.memory_space<vmem>>) target_semaphore(%arg14 : memref<!tpu.dma_semaphore, #tpu.memory_space<semaphore_mem>>)
    %add3A_11 = arith.constant 200000 : i32
    %add3A_12 = arith.addi %add3A_11, %min3A_3 : i32
    %dma_start3A_13 = tpu.memref_slice %arg2[%add3A_12] : memref<300000xf32, #tpu.memory_space<hbm>> -> memref<3136xf32, #tpu.memory_space<hbm>>
    %dma_start3A_14 = tpu.memref_slice %arg2[%add3A_12] : memref<300000xf32, #tpu.memory_space<hbm>> -> memref<3136xf32, #tpu.memory_space<hbm>>
    tpu.enqueue_dma source(%dma_start3A_14 : memref<3136xf32, #tpu.memory_space<hbm>>) target(%arg10 : memref<3136xf32, #tpu.memory_space<vmem>>) target_semaphore(%arg14 : memref<!tpu.dma_semaphore, #tpu.memory_space<semaphore_mem>>)
    tpu.wait_dma2 semaphore(%arg14 : memref<!tpu.dma_semaphore, #tpu.memory_space<semaphore_mem>>) src(%arg3 : memref<576xf32, #tpu.memory_space<hbm>>) dst(%arg6 : memref<576xf32, #tpu.memory_space<vmem>>)
    %dma_wait3A = tpu.memref_slice %arg4[%min3A_3] : memref<100000xi32, #tpu.memory_space<hbm>> -> memref<3136xi32, #tpu.memory_space<hbm>>
    %dma_wait3A_15 = tpu.memref_slice %arg4[%min3A_3] : memref<100000xi32, #tpu.memory_space<hbm>> -> memref<3136xi32, #tpu.memory_space<hbm>>
    tpu.wait_dma2 semaphore(%arg14 : memref<!tpu.dma_semaphore, #tpu.memory_space<semaphore_mem>>) src(%dma_wait3A_15 : memref<3136xi32, #tpu.memory_space<hbm>>) dst(%arg7 : memref<3136xi32, #tpu.memory_space<vmem>>)
    %dma_wait3A_16 = tpu.memref_slice %arg2[%min3A_3] : memref<300000xf32, #tpu.memory_space<hbm>> -> memref<3136xf32, #tpu.memory_space<hbm>>
    %dma_wait3A_17 = tpu.memref_slice %arg2[%min3A_3] : memref<300000xf32, #tpu.memory_space<hbm>> -> memref<3136xf32, #tpu.memory_space<hbm>>
    tpu.wait_dma2 semaphore(%arg14 : memref<!tpu.dma_semaphore, #tpu.memory_space<semaphore_mem>>) src(%dma_wait3A_17 : memref<3136xf32, #tpu.memory_space<hbm>>) dst(%arg8 : memref<3136xf32, #tpu.memory_space<vmem>>)
    %dma_wait3A_18 = tpu.memref_slice %arg2[%add3A_8] : memref<300000xf32, #tpu.memory_space<hbm>> -> memref<3136xf32, #tpu.memory_space<hbm>>
    %dma_wait3A_19 = tpu.memref_slice %arg2[%add3A_8] : memref<300000xf32, #tpu.memory_space<hbm>> -> memref<3136xf32, #tpu.memory_space<hbm>>
    tpu.wait_dma2 semaphore(%arg14 : memref<!tpu.dma_semaphore, #tpu.memory_space<semaphore_mem>>) src(%dma_wait3A_19 : memref<3136xf32, #tpu.memory_space<hbm>>) dst(%arg9 : memref<3136xf32, #tpu.memory_space<vmem>>)
    %dma_wait3A_20 = tpu.memref_slice %arg2[%add3A_12] : memref<300000xf32, #tpu.memory_space<hbm>> -> memref<3136xf32, #tpu.memory_space<hbm>>
    %dma_wait3A_21 = tpu.memref_slice %arg2[%add3A_12] : memref<300000xf32, #tpu.memory_space<hbm>> -> memref<3136xf32, #tpu.memory_space<hbm>>
    tpu.wait_dma2 semaphore(%arg14 : memref<!tpu.dma_semaphore, #tpu.memory_space<semaphore_mem>>) src(%dma_wait3A_21 : memref<3136xf32, #tpu.memory_space<hbm>>) dst(%arg10 : memref<3136xf32, #tpu.memory_space<vmem>>)
    %parallel_loop3A = arith.constant 0 : i32
    %parallel_loop3A_22 = arith.constant 196 : i32
    %parallel_loop3A_23 = arith.constant 1 : i32
    scf.for %parallel_loop3A_40 = %parallel_loop3A to %parallel_loop3A_22 step %parallel_loop3A_23  : i32 {
      %parallel_loop3A_41 = arith.constant 16 : i32
      %parallel_loop3A_42 = arith.muli %parallel_loop3A_40, %parallel_loop3A_41 : i32
      %parallel_loop3A_43 = arith.index_cast %parallel_loop3A_42 : i32 to index
      %parallel_loop3A_44 = tpu.vector_load %arg7[%parallel_loop3A_43] {strides = array<i32>} : memref<3136xi32, #tpu.memory_space<vmem>>, vector<16xi32>,
      %parallel_loop3A_45 = arith.constant 9 : i32
      %parallel_loop3A_46 = vector.broadcast %parallel_loop3A_45 : i32 to vector<16xi32>
      %parallel_loop3A_47 = arith.muli %parallel_loop3A_44, %parallel_loop3A_46 : vector<16xi32>
      %parallel_loop3A_48 = arith.index_cast %parallel_loop3A_42 : i32 to index
      %parallel_loop3A_49 = tpu.vector_load %arg8[%parallel_loop3A_48] {strides = array<i32>} : memref<3136xf32, #tpu.memory_space<vmem>>, vector<16xf32>,
      %parallel_loop3A_50 = arith.index_cast %parallel_loop3A_42 : i32 to index
      %parallel_loop3A_51 = tpu.vector_load %arg9[%parallel_loop3A_50] {strides = array<i32>} : memref<3136xf32, #tpu.memory_space<vmem>>, vector<16xf32>,
      %parallel_loop3A_52 = arith.index_cast %parallel_loop3A_42 : i32 to index
      %parallel_loop3A_53 = tpu.vector_load %arg10[%parallel_loop3A_52] {strides = array<i32>} : memref<3136xf32, #tpu.memory_space<vmem>>, vector<16xf32>,
      %parallel_loop3A_54 = arith.constant 0 : i32
      %parallel_loop3A_55 = vector.broadcast %parallel_loop3A_54 : i32 to vector<16xi32>
      %parallel_loop3A_56 = arith.addi %parallel_loop3A_47, %parallel_loop3A_55 : vector<16xi32>
      %parallel_loop3A_57 = tpu.vector_load_idx %arg6[%parallel_loop3A_56] : memref<576xf32, #tpu.memory_space<vmem>>[vector<16xi32>], vector<16xf32>,
      %parallel_loop3A_58 = arith.constant 3 : i32
      %parallel_loop3A_59 = vector.broadcast %parallel_loop3A_58 : i32 to vector<16xi32>
      %parallel_loop3A_60 = arith.addi %parallel_loop3A_47, %parallel_loop3A_59 : vector<16xi32>
      %parallel_loop3A_61 = tpu.vector_load_idx %arg6[%parallel_loop3A_60] : memref<576xf32, #tpu.memory_space<vmem>>[vector<16xi32>], vector<16xf32>,
      %parallel_loop3A_62 = arith.constant 6 : i32
      %parallel_loop3A_63 = vector.broadcast %parallel_loop3A_62 : i32 to vector<16xi32>
      %parallel_loop3A_64 = arith.addi %parallel_loop3A_47, %parallel_loop3A_63 : vector<16xi32>
      %parallel_loop3A_65 = tpu.vector_load_idx %arg6[%parallel_loop3A_64] : memref<576xf32, #tpu.memory_space<vmem>>[vector<16xi32>], vector<16xf32>,
      %parallel_loop3A_66 = arith.mulf %parallel_loop3A_49, %parallel_loop3A_57 : vector<16xf32>
      %parallel_loop3A_67 = arith.mulf %parallel_loop3A_51, %parallel_loop3A_61 : vector<16xf32>
      %parallel_loop3A_68 = arith.addf %parallel_loop3A_66, %parallel_loop3A_67 : vector<16xf32>
      %parallel_loop3A_69 = arith.mulf %parallel_loop3A_53, %parallel_loop3A_65 : vector<16xf32>
      %parallel_loop3A_70 = arith.addf %parallel_loop3A_68, %parallel_loop3A_69 : vector<16xf32>
      %parallel_loop3A_71 = arith.index_cast %parallel_loop3A_42 : i32 to index
      %parallel_loop3A_72 = tpu.vector_load %arg11[%parallel_loop3A_71] {strides = array<i32>} : memref<3136xf32, #tpu.memory_space<vmem>>, vector<16xf32>,
      tpu.vector_store %arg11[%parallel_loop3A_71], %parallel_loop3A_70 {strides = array<i32>} : memref<3136xf32, #tpu.memory_space<vmem>>, vector<16xf32>,
      %parallel_loop3A_73 = arith.constant 1 : i32
      %parallel_loop3A_74 = vector.broadcast %parallel_loop3A_73 : i32 to vector<16xi32>
      %parallel_loop3A_75 = arith.addi %parallel_loop3A_47, %parallel_loop3A_74 : vector<16xi32>
      %parallel_loop3A_76 = tpu.vector_load_idx %arg6[%parallel_loop3A_75] : memref<576xf32, #tpu.memory_space<vmem>>[vector<16xi32>], vector<16xf32>,
      %parallel_loop3A_77 = arith.constant 4 : i32
      %parallel_loop3A_78 = vector.broadcast %parallel_loop3A_77 : i32 to vector<16xi32>
      %parallel_loop3A_79 = arith.addi %parallel_loop3A_47, %parallel_loop3A_78 : vector<16xi32>
      %parallel_loop3A_80 = tpu.vector_load_idx %arg6[%parallel_loop3A_79] : memref<576xf32, #tpu.memory_space<vmem>>[vector<16xi32>], vector<16xf32>,
      %parallel_loop3A_81 = arith.constant 7 : i32
      %parallel_loop3A_82 = vector.broadcast %parallel_loop3A_81 : i32 to vector<16xi32>
      %parallel_loop3A_83 = arith.addi %parallel_loop3A_47, %parallel_loop3A_82 : vector<16xi32>
      %parallel_loop3A_84 = tpu.vector_load_idx %arg6[%parallel_loop3A_83] : memref<576xf32, #tpu.memory_space<vmem>>[vector<16xi32>], vector<16xf32>,
      %parallel_loop3A_85 = arith.mulf %parallel_loop3A_49, %parallel_loop3A_76 : vector<16xf32>
      %parallel_loop3A_86 = arith.mulf %parallel_loop3A_51, %parallel_loop3A_80 : vector<16xf32>
      %parallel_loop3A_87 = arith.addf %parallel_loop3A_85, %parallel_loop3A_86 : vector<16xf32>
      %parallel_loop3A_88 = arith.mulf %parallel_loop3A_53, %parallel_loop3A_84 : vector<16xf32>
      %parallel_loop3A_89 = arith.addf %parallel_loop3A_87, %parallel_loop3A_88 : vector<16xf32>
      %parallel_loop3A_90 = arith.index_cast %parallel_loop3A_42 : i32 to index
      %parallel_loop3A_91 = tpu.vector_load %arg12[%parallel_loop3A_90] {strides = array<i32>} : memref<3136xf32, #tpu.memory_space<vmem>>, vector<16xf32>,
      tpu.vector_store %arg12[%parallel_loop3A_90], %parallel_loop3A_89 {strides = array<i32>} : memref<3136xf32, #tpu.memory_space<vmem>>, vector<16xf32>,
      %parallel_loop3A_92 = arith.constant 2 : i32
      %parallel_loop3A_93 = vector.broadcast %parallel_loop3A_92 : i32 to vector<16xi32>
      %parallel_loop3A_94 = arith.addi %parallel_loop3A_47, %parallel_loop3A_93 : vector<16xi32>
      %parallel_loop3A_95 = tpu.vector_load_idx %arg6[%parallel_loop3A_94] : memref<576xf32, #tpu.memory_space<vmem>>[vector<16xi32>], vector<16xf32>,
      %parallel_loop3A_96 = arith.constant 5 : i32
      %parallel_loop3A_97 = vector.broadcast %parallel_loop3A_96 : i32 to vector<16xi32>
      %parallel_loop3A_98 = arith.addi %parallel_loop3A_47, %parallel_loop3A_97 : vector<16xi32>
      %parallel_loop3A_99 = tpu.vector_load_idx %arg6[%parallel_loop3A_98] : memref<576xf32, #tpu.memory_space<vmem>>[vector<16xi32>], vector<16xf32>,
      %parallel_loop3A_100 = arith.constant 8 : i32
      %parallel_loop3A_101 = vector.broadcast %parallel_loop3A_100 : i32 to vector<16xi32>
      %parallel_loop3A_102 = arith.addi %parallel_loop3A_47, %parallel_loop3A_101 : vector<16xi32>
      %parallel_loop3A_103 = tpu.vector_load_idx %arg6[%parallel_loop3A_102] : memref<576xf32, #tpu.memory_space<vmem>>[vector<16xi32>], vector<16xf32>,
      %parallel_loop3A_104 = arith.mulf %parallel_loop3A_49, %parallel_loop3A_95 : vector<16xf32>
      %parallel_loop3A_105 = arith.mulf %parallel_loop3A_51, %parallel_loop3A_99 : vector<16xf32>
      %parallel_loop3A_106 = arith.addf %parallel_loop3A_104, %parallel_loop3A_105 : vector<16xf32>
      %parallel_loop3A_107 = arith.mulf %parallel_loop3A_53, %parallel_loop3A_103 : vector<16xf32>
      %parallel_loop3A_108 = arith.addf %parallel_loop3A_106, %parallel_loop3A_107 : vector<16xf32>
      %parallel_loop3A_109 = arith.index_cast %parallel_loop3A_42 : i32 to index
      %parallel_loop3A_110 = tpu.vector_load %arg13[%parallel_loop3A_109] {strides = array<i32>} : memref<3136xf32, #tpu.memory_space<vmem>>, vector<16xf32>,
      tpu.vector_store %arg13[%parallel_loop3A_109], %parallel_loop3A_108 {strides = array<i32>} : memref<3136xf32, #tpu.memory_space<vmem>>, vector<16xf32>,
    } {sc.loop_unroll_factor = 2 : i64, sc.parallel_access}
    %dma_start3A_24 = tpu.memref_slice %arg5[%min3A_3] : memref<300000xf32, #tpu.memory_space<hbm>> -> memref<3136xf32, #tpu.memory_space<hbm>>
    %dma_start3A_25 = tpu.memref_slice %arg5[%min3A_3] : memref<300000xf32, #tpu.memory_space<hbm>> -> memref<3136xf32, #tpu.memory_space<hbm>>
    tpu.enqueue_dma source(%arg11 : memref<3136xf32, #tpu.memory_space<vmem>>) target(%dma_start3A_25 : memref<3136xf32, #tpu.memory_space<hbm>>) target_semaphore(%arg14 : memref<!tpu.dma_semaphore, #tpu.memory_space<semaphore_mem>>)
    %add3A_26 = arith.constant 100000 : i32
    %add3A_27 = arith.addi %add3A_26, %min3A_3 : i32
    %dma_start3A_28 = tpu.memref_slice %arg5[%add3A_27] : memref<300000xf32, #tpu.memory_space<hbm>> -> memref<3136xf32, #tpu.memory_space<hbm>>
    %dma_start3A_29 = tpu.memref_slice %arg5[%add3A_27] : memref<300000xf32, #tpu.memory_space<hbm>> -> memref<3136xf32, #tpu.memory_space<hbm>>
    tpu.enqueue_dma source(%arg12 : memref<3136xf32, #tpu.memory_space<vmem>>) target(%dma_start3A_29 : memref<3136xf32, #tpu.memory_space<hbm>>) target_semaphore(%arg14 : memref<!tpu.dma_semaphore, #tpu.memory_space<semaphore_mem>>)
    %add3A_30 = arith.constant 200000 : i32
    %add3A_31 = arith.addi %add3A_30, %min3A_3 : i32
    %dma_start3A_32 = tpu.memref_slice %arg5[%add3A_31] : memref<300000xf32, #tpu.memory_space<hbm>> -> memref<3136xf32, #tpu.memory_space<hbm>>
    %dma_start3A_33 = tpu.memref_slice %arg5[%add3A_31] : memref<300000xf32, #tpu.memory_space<hbm>> -> memref<3136xf32, #tpu.memory_space<hbm>>
    tpu.enqueue_dma source(%arg13 : memref<3136xf32, #tpu.memory_space<vmem>>) target(%dma_start3A_33 : memref<3136xf32, #tpu.memory_space<hbm>>) target_semaphore(%arg14 : memref<!tpu.dma_semaphore, #tpu.memory_space<semaphore_mem>>)
    %dma_wait3A_34 = tpu.memref_slice %arg5[%min3A_3] : memref<300000xf32, #tpu.memory_space<hbm>> -> memref<3136xf32, #tpu.memory_space<hbm>>
    %dma_wait3A_35 = tpu.memref_slice %arg5[%min3A_3] : memref<300000xf32, #tpu.memory_space<hbm>> -> memref<3136xf32, #tpu.memory_space<hbm>>
    tpu.wait_dma2 semaphore(%arg14 : memref<!tpu.dma_semaphore, #tpu.memory_space<semaphore_mem>>) src(%arg11 : memref<3136xf32, #tpu.memory_space<vmem>>) dst(%dma_wait3A_35 : memref<3136xf32, #tpu.memory_space<hbm>>)
    %dma_wait3A_36 = tpu.memref_slice %arg5[%add3A_27] : memref<300000xf32, #tpu.memory_space<hbm>> -> memref<3136xf32, #tpu.memory_space<hbm>>
    %dma_wait3A_37 = tpu.memref_slice %arg5[%add3A_27] : memref<300000xf32, #tpu.memory_space<hbm>> -> memref<3136xf32, #tpu.memory_space<hbm>>
    tpu.wait_dma2 semaphore(%arg14 : memref<!tpu.dma_semaphore, #tpu.memory_space<semaphore_mem>>) src(%arg12 : memref<3136xf32, #tpu.memory_space<vmem>>) dst(%dma_wait3A_37 : memref<3136xf32, #tpu.memory_space<hbm>>)
    %dma_wait3A_38 = tpu.memref_slice %arg5[%add3A_31] : memref<300000xf32, #tpu.memory_space<hbm>> -> memref<3136xf32, #tpu.memory_space<hbm>>
    %dma_wait3A_39 = tpu.memref_slice %arg5[%add3A_31] : memref<300000xf32, #tpu.memory_space<hbm>> -> memref<3136xf32, #tpu.memory_space<hbm>>
    tpu.wait_dma2 semaphore(%arg14 : memref<!tpu.dma_semaphore, #tpu.memory_space<semaphore_mem>>) src(%arg13 : memref<3136xf32, #tpu.memory_space<vmem>>) dst(%dma_wait3A_39 : memref<3136xf32, #tpu.memory_space<hbm>>)
    return
  }
}

</mosaic_0001>

<sc_bundles>
// kernel: _run.3.cloned.1.call-start
scs
__scs_entry_jumppad:
0x0: {  	(pc) =	sbr.rel $0x88, $3  }
0x1: {  	(tag) =	ssettag $0x0;
	lr =	simm.s32 $0x1  }
0x2: {  	[smem:$0x3F9E] =	sst lr;
	_ =	strace $0xD0000000  }
0x3: {  	_ = 	snop  }
0x4: {  	_ = 	snop  }
0x5: {  	_ = 	snop  }
0x6: {  	_ = 	snop  }
0x7: {  	_ = 	snop  }
__scs_overlays_trampoline_lowered:
0x8: {  	[smem:$0x3FAD] =	sst s0  }
0x9: {  	[smem:$0x3FAE] =	sst s1  }
0xa: {  	[smem:$0x3FAF] =	sst s2  }
0xb: {  	[smem:$0x3FB0] =	sst s3  }
0xc: {  	[smem:$0x3FB1] =	sst s4  }
0xd: {  	[smem:$0x3FB2] =	sst s5  }
0xe: {  	[smem:$0x3FB3] =	sst s6  }
0xf: {  	[smem:$0x3FB4] =	sst s7  }
0x10: {  	[smem:$0x3FB5] =	sst s8  }
0x11: {  	[smem:$0x3FB6] =	sst s9;
	s0 =	simm.s32 @!p0 $0x0  }
0x12: {  	s1 =	sld [smem:$0x3F9C];
	s0 =	simm.s32 @p0 $0x1  }
0x13: {  	[smem:$0x3FB7] =	sst s0;
	s0 =	simm.s32 @!p1 $0x0  }
0x14: {  	s2 =	sld [smem:$0x3F9B];
	s0 =	simm.s32 @p1 $0x1  }
0x15: {  	[smem:$0x3FB8] =	sst s0;
	s0 =	simm.s32 @!p2 $0x0  }
0x16: {  	s3 =	sld [smem:$0x3FDB];
	s0 =	simm.s32 @p2 $0x1  }
0x17: {  	s4 =	simm.s32 $0x1BF5;
	[smem:$0x3FBA] =	sst s0  }
0x18: {  	s0 =	sld [smem:$0x3F9D];
	_ =	swait.ge [sflag:s4], $0x0  }
0x19: {  	s7 =	sld [smem:$0x3F9E]  }
0x1a: {  	s8 =	sadd.s32 $0xFFFFE003, lr  }
0x1b: {  	s9 =	sadd.s32 $0xFFFFFEF7, lr;
	s5 =	simm.s32 $0xFFFFFFFF;
	p2 =	slt.u32 s8, $0xFFFFF086  }
0x1c: {  	p1 =	slt.u32 s9, $0xF7A;
	s5 =	simm.s32 @!p2 $0x0  }
0x1d: {  	s5 =	simm.s32 @p1 $0x1;
	p0 =	seq.s32 s7, s2  }
0x1e: {  	s7 =	smul.u32 @!p0 $0xF7A, s2;
	p2 =	seq.s32 @!p0 s5, $0x0  }
0x1f: {  	s9 =	smul.u32 $0xF7A, s1;
	s8 =	simm.s32 @!p0 $0x1BF5;
	p2 =	por !p2, p0  }
0x20: {  	[sflag:s8] =	ssyncset.s32 @!p0 $0xFFFFF086;
	s6 =	sadd.s32 @!p0 s3, s7;
	s7 =	simm.s32 @!p0 $0x108  }
0x21: {  	s3 =	sadd.s32 s3, s9;
	s6 =	sadd.s32 @!p0 $0x88, s6;
	s7 =	simm.s32 @p2 $0x1082  }
0x22: {  	[simem:s7], [sflag:s8] =	dma.local @!p0 [hbm:s6], $0xF7A  }
0x23: {  	s9 =	sor.u32 $0xD0000000, s2;
	s6 =	simm.s32 $0x108;
	_ =	swait.ge @!p0 [sflag:s8], $0x0  }
0x24: {  	s3 =	sadd.s32 $0x88, s3;
	s6 =	simm.s32 @!p1 $0x1082;
	[sflag:s4] =	ssyncset.s32 $0xFFFFF086  }
0x25: {  	[simem:s6], [sflag:s4] =	dma.local [hbm:s3], $0xF7A  }
0x26: {  	[smem:$0x3F9E] =	sst s1;
	(tag) =	ssettag s2;
	_ =	strace s9  }
0x27: {  	s1 =	sld [smem:$0x3FAE]  }
0x28: {  	s2 =	sld [smem:$0x3FAF]  }
0x29: {  	s4 =	sld [smem:$0x3FB1]  }
0x2a: {  	p0 =	seq.s32 s5, $0x0;
	s5 =	sld [smem:$0x3FB2]  }
0x2b: {  	s6 =	sld [smem:$0x3FB3]  }
0x2c: {  	s7 =	sld [smem:$0x3FB4]  }
0x2d: {  	s3 =	simm.s32 $0x108;
	s8 =	sld [smem:$0x3FB5]  }
0x2e: {  	s3 =	simm.s32 @!p0 $0x1082;
	s9 =	sld [smem:$0x3FB6]  }
0x2f: {  	lr =	sadd.s32 s0, s3;
	s0 =	sld [smem:$0x3FAD]  }
0x30: {  	s3 =	sld [smem:$0x3FB0]  }
0x31: {  	[smem:$0x3FB9] =	sst s10  }
0x32: {  	s10 =	sld [smem:$0x3FB7];
	_ =	sdelay $0x3  }
0x33: {  	p0 =	seq.s32 s10, $0x1;
	s10 =	sld [smem:$0x3FB9];
	_ =	sdelay $0x3  }
0x34: {  	[smem:$0x3FB9] =	sst s10  }
0x35: {  	s10 =	sld [smem:$0x3FB8];
	_ =	sdelay $0x3  }
0x36: {  	p1 =	seq.s32 s10, $0x1;
	s10 =	sld [smem:$0x3FB9];
	_ =	sdelay $0x3  }
0x37: {  	[smem:$0x3FB9] =	sst s10  }
0x38: {  	s10 =	sld [smem:$0x3FBA]  }
0x39: {  	_ = 	snop;
	(pc) =	sbr.ind lr, $3  }
0x3a: {  	_ = 	snop  }
0x3b: {  	_ = 	snop  }
0x3c: {  	p2 =	seq.s32 s10, $0x1;
	s10 =	sld [smem:$0x3FB9]  }
0x3d: {  	_ =	shalt  }
0x3e: {  	_ =	shalt  }
0x3f: {  	_ =	shalt  }
0x40: {  	_ =	shalt  }
0x41: {  	_ =	shalt  }
0x42: {  	_ =	shalt  }
0x43: {  	_ =	shalt  }
0x44: {  	_ =	shalt  }
0x45: {  	_ =	shalt  }
0x46: {  	_ =	shalt  }
0x47: {  	_ =	shalt  }
0x48: {  	_ =	shalt  }
0x49: {  	_ =	shalt  }
0x4a: {  	_ =	shalt  }
0x4b: {  	_ =	shalt  }
0x4c: {  	_ =	shalt  }
0x4d: {  	_ =	shalt  }
0x4e: {  	_ =	shalt  }
0x4f: {  	_ =	shalt  }
0x50: {  	_ =	shalt  }
0x51: {  	_ =	shalt  }
0x52: {  	_ =	shalt  }
0x53: {  	_ =	shalt  }
0x54: {  	_ =	shalt  }
0x55: {  	_ =	shalt  }
0x56: {  	_ =	shalt  }
0x57: {  	_ =	shalt  }
0x58: {  	_ =	shalt  }
0x59: {  	_ =	shalt  }
0x5a: {  	_ =	shalt  }
0x5b: {  	_ =	shalt  }
0x5c: {  	_ =	shalt  }
0x5d: {  	_ =	shalt  }
0x5e: {  	_ =	shalt  }
0x5f: {  	_ =	shalt  }
0x60: {  	_ =	shalt  }
0x61: {  	_ =	shalt  }
0x62: {  	_ =	shalt  }
0x63: {  	_ =	shalt  }
0x64: {  	_ =	shalt  }
0x65: {  	_ =	shalt  }
0x66: {  	_ =	shalt  }
0x67: {  	_ =	shalt  }
0x68: {  	_ =	shalt  }
0x69: {  	_ =	shalt  }
0x6a: {  	_ =	shalt  }
0x6b: {  	_ =	shalt  }
0x6c: {  	_ =	shalt  }
0x6d: {  	_ =	shalt  }
0x6e: {  	_ =	shalt  }
0x6f: {  	_ =	shalt  }
0x70: {  	_ =	shalt  }
0x71: {  	_ =	shalt  }
0x72: {  	_ =	shalt  }
0x73: {  	_ =	shalt  }
0x74: {  	_ =	shalt  }
0x75: {  	_ =	shalt  }
0x76: {  	_ =	shalt  }
0x77: {  	_ =	shalt  }
0x78: {  	_ =	shalt  }
0x79: {  	_ =	shalt  }
0x7a: {  	_ =	shalt  }
0x7b: {  	_ =	shalt  }
0x7c: {  	_ =	shalt  }
0x7d: {  	_ =	shalt  }
0x7e: {  	_ =	shalt  }
0x7f: {  	_ =	shalt  }
0x80: {  	_ =	shalt  }
0x81: {  	_ =	shalt  }
0x82: {  	_ =	shalt  }
0x83: {  	_ =	shalt  }
0x84: {  	_ =	shalt  }
0x85: {  	_ =	shalt  }
0x86: {  	_ =	shalt  }
0x87: {  	_ =	shalt  }
.Lfunc_end0:
.L_simem_size_0:
called_computation_lowered:
.L_overlay_start_0:
0x88: {  	s2 =	sld [smem:$0x3FD9]  }
0x89: {  	s3 =	sld [smem:$0x3FFE];
	_ =	sdelay $0x1  }
0x8a: {  	s1 =	srdreg.scid  }
0x8b: {  	s0 =	sand.u32 $0x1, s1  }
0x8c: {  	s17 =	sshll.u32 s0, $0xA;
	s2 =	sadd.s32 s3, s2  }
0x8d: {  	s2 =	sadd.s32 s2, s17  }
0x8e: {  	[smem:$0x3FC5] =	sst s2  }
0x8f: {  	_ = 	snop  }
0x90: {  	s2 =	sld [smem:$0x3FC7]  }
0x91: {  	s18 =	sld [smem:$0x3FD0];
	(tm) =	ssettm $0x1  }
0x92: {  	s4 =	sld [smem:$0x3FFB];
	_ =	sdelay $0x3  }
0x93: {  	_ =	strace s4  }
0x94: {  	s4 =	sld [smem:$0x3FFC];
	_ =	sdelay $0x3  }
0x95: {  	_ =	strace s4  }
0x96: {  	s4 =	sld [smem:$0x3FFD];
	_ =	sdelay $0x3  }
0x97: {  	_ =	strace s4  }
0x98: {  	_ =	strace $0x8FFFFFFF  }
0x99: {  	s19 =	sld [smem:$0x3FDB];
	_ =	sdelay $0x1  }
0x9a: {  	s5 =	simm.s32 $_scs_section_size  }
0x9b: {  	s6 =	simm.s32 $_size__tile_overlayer_lowered;
	s7 =	simm.s32 $_tile_overlayer_lowered  }
0x9c: {  	s22 =	simm.s32 $0x1BFF;
	s21 =	sshll.u32 s7, $0x1;
	s4 =	sadd.s32 s5, s19  }
0x9d: {  	s8 =	simm.s32 $0x0;
	s20 =	sshll.u32 s6, $0x1;
	s6 =	sadd.s32 s21, s4  }
0x9e: {  	[timem:s8], [sflag:s22] =	dma.local [hbm:s6], s20  }
0x9f: {  	_ =	swait.ge [sflag:s22], s20  }
0xa0: {  	s5 =	ssub.s32 $0x0, s20;
	[sflag:s22] =	ssyncset.done $0x0  }
0xa1: {  	[sflag:s22] =	ssyncadd.s32 s5;
	_ =	sdelay $0x1  }
0xa2: {  	s23 =	simm.s32 $0x1B8B  }
0xa3: {  	_ =	swait.ge [sflag:s23], $0x1  }
0xa4: {  	[sflag:s23] =	ssyncset.done $0x0  }
0xa5: {  	s25 =	simm.s32 $0x1B8E;
	s24 =	sld [smem:$0x3FFE];
	[sflag:s23] =	ssyncadd.s32 $0xFFFFFFFF  }
0xa6: {  	s26 =	simm.s32 $execute0_lowered;
	[smem:$0x3FD2] =	sst s25  }
0xa7: {  	s6 =	sshll.u32 s26, $0x1;
	_ =	strace $0x80000046;
	[dreg:$0x1] =	wrdreg $0xFFFFFFFF  }
0xa8: {  	s28 =	simm.s32 $_size_execute0_lowered;
	s4 =	sadd.s32 s4, s6;
	[dreg:$0x0] =	wrdreg $0x0  }
0xa9: {  	s6 =	sshll.u32 s28, $0x1;
	[dreg:$0x2] =	wrdreg s4  }
0xaa: {  	[dreg:$0x3] =	wrdreg s6  }
0xab: {  	[dreg:$0x4] =	wrdreg $0xC0  }
0xac: {  	_ =	task [dreg:s8], $0x5FFFF  }
0xad: {  	[dreg:$0x1] =	wrdreg $0xFFFFFFFF  }
0xae: {  	[dreg:$0x0] =	wrdreg $0x60  }
0xaf: {  	[dreg:$0x2] =	wrdreg s18  }
0xb0: {  	[dreg:$0x3] =	wrdreg s24  }
0xb1: {  	[dreg:$0x4] =	wrdreg s2  }
0xb2: {  	[dreg:$0x5] =	wrdreg $0x9  }
0xb3: {  	_ =	task.clear_ibuf [dreg:s8], $0x6FFFF;
	_ =	strace $0x90000046  }
0xb4: {  	s29 =	simm.s32 $0x9;
	_ =	strace $0x80000048  }
0xb5: {  	_ =	swait.ge [sflag:s29], $0x1  }
0xb6: {  	[sflag:s29] =	ssyncadd.s32 $0xFFFFFFFF  }
0xb7: {  	_ =	strace $0x90000048  }
0xb8: {  	_ =	sfence  }
0xb9: {  	s30 =	sld [smem:$0x0];
	_ =	sdelay $0x2  }
0xba: {  	s31 =	sshll.u32 s1, $0xD;
	s1 =	sshrl.u32 s1, $0x2  }
0xbb: {  	s3 =	sand.u32 $0x4000, s31;
	s1 =	sadd.s32 s1, s30  }
0xbc: {  	s0 =	sor.u32 s3, s0;
	s1 =	sshll.u32 s1, $0x11  }
0xbd: {  	s0 =	sor.u32 s1, s0  }
0xbe: {  	s0 =	sadd.s32 $0x8F2B, s0  }
0xbf: {  	[sflag:s0] =	ssyncadd.remote.s32 $0x1  }
0xc0: {  	_ =	sfence.sel $0xFFFF  }
0xc1: {  	[dreg:$0x0] =	wrdreg $0xFFFFFFFF;
	(pc) =	sbr.abs _section_cstart, $3  }
0xc2: {  	[dreg:$0x1] =	wrdreg $0xFFFFFFFF  }
0xc3: {  	_ =	task.clear_ibuf [dreg:s8], $0x2FFFF;
	_ =	strace $0x9FFFFFFF  }
0xc4: {  	(tm) =	ssettm $0x7FFFFFFF  }
0xc5: {  	_ =	shalt  }
tec
execute0_lowered:
.L_overlay_start_1:
0x0: {  	(tag) =	ssettag $0x1  }
0x1: {  	s7 =	rddreg [dreg:$0x0]  }
0x2: {  	s1 =	srdreg.scid;
	s4 =	rddreg [dreg:$0x1]  }
0x3: {  	s0 =	stileid.u32;
	s5 =	rddreg [dreg:$0x2];
	s2 =	simm.s32 $0x0  }
0x4: {  	s14 =	simm.s32 $0x1B80;
	s15 =	simm.s32 $0x2800;
	s16 =	simm.s32 $0x1  }
0x5: {  	s17 =	simm.s32 $0x3480;
	s3 =	sand.u32 $0x1, s1;
	s30 =	sshll.u32 s0, $0x1  }
0x6: {  	s18 =	simm.s32 $0x4100;
	s19 =	simm.s32 $0x4D80;
	s6 =	sor.u32 s3, s30  }
0x7: {  	s20 =	simm.s32 $0x0;
	s1 =	rddreg [dreg:$0x3];
	s6 =	smul.u32 $0xC40, s6  }
0x8: {  	[smem:$0x7FF] =	sst s2;
	s11 =	sadd.s32 $0x600, s4;
	s8 =	ssub.s32 $0x2, s3  }
0x9: {  	_ =	strace $0x80000047;
	s9 =	sshrl.u32 s8, $0x1;
	s6 =	smin.u32 s6, $0x17A60  }
0xa: {  	s3 =	sadd.s32 $0x400, s4;
	s12 =	ssub.s32 s8, s9;
	s10 =	sshrl.u32 s6, $0x3  }
0xb: {  	s4 =	sadd.s32 s5, s10;
	s5 =	sadd.s32 s7, s10;
	s31 =	sadd.s32 $0x30D4, s10  }
0xc: {  	s13 =	sadd.s32 $0x61A8, s10;
	s8 =	sadd.s32 s11, s10;
	s6 =	sadd.s32 s7, s31  }
0xd: {  	s7 =	sadd.s32 s7, s13;
	s9 =	sadd.s32 s11, s31;
	s10 =	sadd.s32 s11, s13  }
0xe: {  	s11 =	smax.u32 s12, $0x1;
	s12 =	simm.s32 $0x280;
	s13 =	simm.s32 $0xF00  }
.LBB2_1:
0xf: {  	[tilespmem:s2], [sflag:$0x1] =	stream.linear.gather [hbm4b:s3+s2], $0x280, $0x38;
	[tilespmem:$0x5A00] =	vst v63  }
0x10: {  	_ = 	snop  }
0x11: {  	[tilespmem:s12], [sflag:$0x1] =	stream.linear.gather [hbm4b:s4+s2], $0xC40, $0x38;
	[tilespmem:$0x5A00] =	vst v63  }
0x12: {  	_ = 	snop  }
0x13: {  	[tilespmem:s13], [sflag:$0x1] =	stream.linear.gather [hbm4b:s5+s2], $0xC40, $0x38;
	[tilespmem:$0x5A00] =	vst v63  }
0x14: {  	_ = 	snop  }
0x15: {  	[tilespmem:s14], [sflag:$0x1] =	stream.linear.gather [hbm4b:s6+s2], $0xC40, $0x38;
	[tilespmem:$0x5A00] =	vst v63  }
0x16: {  	_ = 	snop  }
0x17: {  	[tilespmem:s15], [sflag:$0x1] =	stream.linear.gather [hbm4b:s7+s2], $0xC40, $0x38;
	[tilespmem:$0x5A00] =	vst v63  }
0x18: {  	_ =	swait.ge [sflag:s16], $0x280  }
0x19: {  	[sflag:s16] =	ssyncset.done $0x0  }
0x1a: {  	[sflag:s16] =	ssyncadd.s32 $0xFFFFFD80  }
0x1b: {  	_ =	swait.ge [sflag:s16], $0xC40  }
0x1c: {  	[sflag:s16] =	ssyncset.done $0x0  }
0x1d: {  	[sflag:s16] =	ssyncadd.s32 $0xFFFFF3C0  }
0x1e: {  	_ =	swait.ge [sflag:s16], $0xC40  }
0x1f: {  	[sflag:s16] =	ssyncset.done $0x0  }
0x20: {  	[sflag:s16] =	ssyncadd.s32 $0xFFFFF3C0  }
0x21: {  	_ =	swait.ge [sflag:s16], $0xC40  }
0x22: {  	[sflag:s16] =	ssyncset.done $0x0  }
0x23: {  	[sflag:s16] =	ssyncadd.s32 $0xFFFFF3C0  }
0x24: {  	_ =	swait.ge [sflag:s16], $0xC40  }
0x25: {  	[sflag:s16] =	ssyncset.done $0x0  }
0x26: {  	s21 =	simm.s32 $0x290;
	[sflag:s16] =	ssyncadd.s32 $0xFFFFF3C0  }
0x27: {  	v0 =	vld [tilespmem:s21+$0x0]  }
0x28: {  	v1 =	vld [tilespmem:s21+$0xFFFFFFF0];
	_ =	sdelay $0x3  }
0x29: {  	v4 =	vmul.u32 $0x9, v0  }
0x2a: {  	v12 =	vmul.u32 $0x9, v1  }
0x2b: {  	s24 =	simm.s32 $0x2810  }
0x2c: {  	s22 =	simm.s32 $0xF10;
	v11 =	vld [tilespmem:s24+$0x0];
	v1 =	vadd.s32 $0x3, v4  }
0x2d: {  	s23 =	simm.s32 $0x1B90;
	v14 =	vld [tilespmem:s22+$0x0];
	v0 =	vadd.s32 $0x6, v4  }
0x2e: {  	v15 =	vld [tilespmem:s23+$0x0];
	v2 =	vadd.s32 $0x3, v12  }
0x2f: {  	v3 =	vld.idx.msk [tilespmem:v4+s2+$0x0], $0xffff  }
0x30: {  	v9 =	vld.idx.msk [tilespmem:v12+s2+$0x0], $0xffff  }
0x31: {  	v6 =	vadd.s32 $0x6, v12;
	v7 =	vld.idx.msk [tilespmem:v1+s2+$0x0], $0xffff  }
0x32: {  	v5 =	vld.idx.msk [tilespmem:v0+s2+$0x0], $0xffff  }
0x33: {  	v8 =	vld.idx.msk [tilespmem:v2+s2+$0x0], $0xffff  }
0x34: {  	v1 =	vld [tilespmem:s22+$0xFFFFFFF0]  }
0x35: {  	v0 =	vld [tilespmem:s23+$0xFFFFFFF0]  }
0x36: {  	v6 =	vld.idx.msk [tilespmem:v6+s2+$0x0], $0xffff;
	v3 =	vmul.f32 v3, v14;
	v7 =	vmul.f32 v7, v15  }
0x37: {  	v2 =	vld [tilespmem:s24+$0xFFFFFFF0]  }
0x38: {  	s25 =	simm.s32 $0x2B0;
	v5 =	vmul.f32 v5, v11;
	v3 =	vadd.f32 v7, v3  }
0x39: {  	v13 =	vld [tilespmem:s25+$0x0];
	v10 =	vadd.s32 $0x1, v4  }
0x3a: {  	s31 =	simm.s32 $0x2830;
	v9 =	vmul.f32 v9, v1;
	v8 =	vmul.f32 v8, v0;
	v3 =	vadd.f32 v5, v3  }
0x3b: {  	s26 =	simm.s32 $0x3490;
	v24 =	vld [tilespmem:s31+$0x0];
	v7 =	vadd.s32 $0x4, v4  }
0x3c: {  	v16 =	vadd.s32 $0x1, v12;
	s23 =	simm.s32 $0xF30;
	v6 =	vmul.f32 v6, v2;
	v8 =	vadd.f32 v8, v9;
	[tilespmem:s26+$0x0] =	vst v3;
	v3 =	vld [tilespmem:s25+$0xFFFFFFF0]  }
0x3d: {  	s24 =	simm.s32 $0x1BB0;
	v20 =	vld [tilespmem:s23+$0x0];
	v9 =	vadd.s32 $0x4, v12  }
0x3e: {  	v13 =	vmul.u32 $0x9, v13;
	v25 =	vld [tilespmem:s24+$0x0];
	v5 =	vadd.s32 $0x7, v4;
	v6 =	vadd.f32 v6, v8  }
0x3f: {  	v10 =	vld.idx.msk [tilespmem:v10+s2+$0x0], $0xffff  }
0x40: {  	[tilespmem:s26+$0xFFFFFFF0] =	vst v6;
	v7 =	vld.idx.msk [tilespmem:v7+s2+$0x0], $0xffff  }
0x41: {  	v16 =	vld.idx.msk [tilespmem:v16+s2+$0x0], $0xffff;
	v18 =	vmul.u32 $0x9, v3;
	v3 =	vadd.s32 $0x3, v13  }
0x42: {  	v6 =	vadd.s32 $0x6, v13;
	v17 =	vld.idx.msk [tilespmem:v9+s2+$0x0], $0xffff  }
0x43: {  	v5 =	vld.idx.msk [tilespmem:v5+s2+$0x0], $0xffff  }
0x44: {  	s25 =	simm.s32 $0x2D0;
	v9 =	vld.idx.msk [tilespmem:v13+s2+$0x0], $0xffff;
	v8 =	vadd.s32 $0x3, v18  }
0x45: {  	v29 =	vld [tilespmem:s25+$0xFFFFFFF0]  }
0x46: {  	v10 =	vmul.f32 v10, v14;
	v7 =	vmul.f32 v7, v15;
	v19 =	vld.idx.msk [tilespmem:v3+s2+$0x0], $0xffff  }
0x47: {  	v6 =	vld.idx.msk [tilespmem:v6+s2+$0x0], $0xffff;
	v21 =	vadd.s32 $0x6, v18  }
0x48: {  	v5 =	vmul.f32 v5, v11;
	v3 =	vadd.f32 v7, v10;
	v10 =	vld.idx.msk [tilespmem:v18+s2+$0x0], $0xffff  }
0x49: {  	v22 =	vadd.s32 $0x5, v4;
	v7 =	vld.idx.msk [tilespmem:v8+s2+$0x0], $0xffff;
	v8 =	vadd.s32 $0x2, v4  }
0x4a: {  	v26 =	vadd.s32 $0x8, v4;
	v27 =	vadd.s32 $0x7, v12;
	v23 =	vadd.f32 v5, v3;
	v3 =	vld [tilespmem:s23+$0xFFFFFFF0]  }
0x4b: {  	v29 =	vmul.u32 $0x9, v29;
	v4 =	vmul.f32 v9, v20;
	v5 =	vld [tilespmem:s24+$0xFFFFFFF0];
	v9 =	vmul.f32 v19, v25  }
0x4c: {  	s26 =	simm.s32 $0x4110;
	v19 =	vld.idx.msk [tilespmem:v21+s2+$0x0], $0xffff  }
0x4d: {  	v6 =	vmul.f32 v6, v24;
	[tilespmem:s26+$0x0] =	vst v23;
	v21 =	vadd.s32 $0x1, v13;
	v9 =	vadd.f32 v9, v4;
	v4 =	vld [tilespmem:s31+$0xFFFFFFF0]  }
0x4e: {  	v23 =	vld.idx.msk [tilespmem:v8+s2+$0x0], $0xffff;
	v8 =	vadd.s32 $0x4, v13  }
0x4f: {  	v28 =	vld [tilespmem:s25+$0x0];
	v6 =	vadd.f32 v6, v9  }
0x50: {  	v27 =	vld.idx.msk [tilespmem:v27+s2+$0x0], $0xffff;
	s31 =	simm.s32 $0x34B0;
	v9 =	vmul.f32 v10, v3;
	v10 =	vadd.s32 $0x7, v13  }
0x51: {  	v41 =	vld.idx.msk [tilespmem:v29+s2+$0x0], $0xffff;
	v7 =	vmul.f32 v7, v5;
	[tilespmem:s31+$0x0] =	vst v6  }
0x52: {  	v21 =	vld.idx.msk [tilespmem:v21+s2+$0x0], $0xffff  }
0x53: {  	v7 =	vadd.f32 v7, v9;
	v9 =	vmul.f32 v19, v4;
	v19 =	vadd.s32 $0x4, v18;
	v8 =	vld.idx.msk [tilespmem:v8+s2+$0x0], $0xffff  }
0x54: {  	v22 =	vld.idx.msk [tilespmem:v22+s2+$0x0], $0xffff;
	v6 =	vadd.s32 $0x1, v18  }
0x55: {  	v7 =	vadd.f32 v9, v7;
	v10 =	vld.idx.msk [tilespmem:v10+s2+$0x0], $0xffff  }
0x56: {  	s23 =	simm.s32 $0xF50;
	v26 =	vld.idx.msk [tilespmem:v26+s2+$0x0], $0xffff;
	v9 =	vmul.u32 $0x9, v28  }
0x57: {  	v33 =	vadd.s32 $0x2, v13;
	[tilespmem:s31+$0xFFFFFFF0] =	vst v7;
	v7 =	vld [tilespmem:s23+$0x0]  }
0x58: {  	v31 =	vld.idx.msk [tilespmem:v19+s2+$0x0], $0xffff;
	v19 =	vmul.f32 v21, v20;
	v8 =	vmul.f32 v8, v25;
	v21 =	vadd.s32 $0x3, v9  }
0x59: {  	v36 =	vadd.s32 $0x2, v12;
	v34 =	vadd.s32 $0x5, v13;
	s22 =	simm.s32 $0x2850;
	v30 =	vadd.s32 $0x6, v9;
	v28 =	vld.idx.msk [tilespmem:v6+s2+$0x0], $0xffff  }
0x5a: {  	v61 =	vadd.s32 $0x8, v13;
	s25 =	simm.s32 $0x1BD0;
	v6 =	vld [tilespmem:s22+$0x0];
	v19 =	vadd.f32 v8, v19;
	v32 =	vmul.f32 v10, v24  }
0x5b: {  	v16 =	vmul.f32 v16, v1;
	v17 =	vmul.f32 v17, v0;
	v35 =	vadd.s32 $0x3, v29;
	v8 =	vld [tilespmem:s25+$0x0]  }
0x5c: {  	v15 =	vmul.f32 v22, v15;
	v14 =	vmul.f32 v23, v14;
	v37 =	vld.idx.msk [tilespmem:v9+s2+$0x0], $0xffff;
	v19 =	vadd.f32 v32, v19  }
0x5d: {  	s21 =	simm.s32 $0x4130;
	v38 =	vadd.s32 $0x7, v18;
	v16 =	vadd.f32 v17, v16;
	v62 =	vadd.s32 $0x6, v29;
	v21 =	vld.idx.msk [tilespmem:v21+s2+$0x0], $0xffff  }
0x5e: {  	v13 =	vadd.s32 $0x8, v12;
	v17 =	vmul.f32 v26, v11;
	v15 =	vadd.f32 v15, v14;
	v30 =	vld.idx.msk [tilespmem:v30+s2+$0x0], $0xffff;
	[tilespmem:s21+$0x0] =	vst v19  }
0x5f: {  	v11 =	vadd.s32 $0x8, v18;
	v23 =	vadd.s32 $0x2, v29;
	v14 =	vadd.s32 $0x5, v18;
	v33 =	vld.idx.msk [tilespmem:v33+s2+$0x0], $0xffff  }
0x60: {  	v63 =	vadd.f32 v17, v15;
	v17 =	vadd.s32 $0x7, v29;
	v19 =	vmul.f32 v27, v2;
	v27 =	vld.idx.msk [tilespmem:v34+s2+$0x0], $0xffff  }
0x61: {  	v26 =	vld.idx.msk [tilespmem:v35+s2+$0x0], $0xffff;
	v10 =	vadd.s32 $0x5, v12;
	v12 =	vadd.s32 $0x2, v18;
	v18 =	vadd.s32 $0x4, v29  }
0x62: {  	v40 =	vld.idx.msk [tilespmem:v61+s2+$0x0], $0xffff;
	v39 =	vadd.f32 v19, v16;
	v15 =	vmul.f32 v37, v7;
	v16 =	vmul.f32 v21, v8  }
0x63: {  	v22 =	vld [tilespmem:s23+$0xFFFFFFF0];
	v32 =	vadd.s32 $0x4, v9;
	v28 =	vmul.f32 v28, v3;
	v31 =	vmul.f32 v31, v5  }
0x64: {  	v42 =	vmul.f32 v30, v6;
	v37 =	vadd.f32 v16, v15;
	v15 =	vld [tilespmem:s25+$0xFFFFFFF0];
	v33 =	vmul.f32 v33, v20  }
0x65: {  	v30 =	vld.idx.msk [tilespmem:v62+s2+$0x0], $0xffff;
	v27 =	vmul.f32 v27, v25;
	v25 =	vadd.f32 v31, v28;
	v31 =	vadd.s32 $0x1, v9  }
0x66: {  	v19 =	vadd.s32 $0x1, v29;
	v21 =	vadd.s32 $0x5, v29;
	[tilespmem:s26+$0xFFFFFFF0] =	vst v39;
	v20 =	vadd.s32 $0x8, v29;
	v16 =	vld [tilespmem:s22+$0xFFFFFFF0]  }
0x67: {  	s28 =	simm.s32 $0x4;
	s24 =	simm.s32 $0x4D90;
	v29 =	vld.idx.msk [tilespmem:v38+s2+$0x0], $0xffff;
	v28 =	vmul.f32 v40, v24;
	v34 =	vadd.f32 v42, v37;
	v27 =	vadd.f32 v27, v33  }
0x68: {  	s30 =	simm.s32 $0x2F0;
	s29 =	simm.s32 $0x34D0;
	v35 =	vmul.f32 v41, v22;
	[tilespmem:s24+$0x0] =	vst v63;
	s26 =	simm.s32 $0x4D90;
	v24 =	vld.idx.msk [tilespmem:v36+s2+$0x0], $0xffff;
	v33 =	vadd.s32 $0x7, v9  }
.LBB2_2:
0x69: {  	v36 =	vld [tilespmem:s30+$0x0];
	v26 =	vmul.f32 v26, v15;
	[tilespmem:s29+$0x0] =	vst v34;
	v27 =	vadd.f32 v28, v27;
	v37 =	vmov v23  }
0x6a: {  	s24 =	sadd.s32 $0x20, s24;
	v23 =	vld.idx.msk [tilespmem:v31+s2+$0x0], $0xffff  }
0x6b: {  	v26 =	vadd.f32 v26, v35;
	v28 =	vmul.f32 v30, v16;
	v30 =	vld.idx.msk [tilespmem:v32+s2+$0x0], $0xffff;
	[tilespmem:s24+$0x0] =	vst v27  }
0x6c: {  	v27 =	vld [tilespmem:s30+$0xFFFFFFF0]  }
0x6d: {  	s28 =	sadd.s32 $0x2, s28;
	v29 =	vmul.f32 v29, v4;
	v26 =	vadd.f32 v28, v26;
	v28 =	vld.idx.msk [tilespmem:v33+s2+$0x0], $0xffff  }
0x6e: {  	p0 =	slt.u32 s28, $0xC2;
	v24 =	vmul.f32 v24, v1;
	v1 =	vmovc v3;
	v3 =	vmovc v22;
	v31 =	vld.idx.msk [tilespmem:v10+s2+$0x0], $0xffff;
	v10 =	vmov v14;
	v14 =	vmov v21  }
0x6f: {  	v21 =	vmul.u32 $0x9, v36;
	v22 =	vadd.f32 v29, v25;
	[tilespmem:s29+$0xFFFFFFF0] =	vst v26;
	v25 =	vld.idx.msk [tilespmem:v13+s2+$0x0], $0xffff;
	v13 =	vmovc v11;
	v11 =	vmov v20  }
0x70: {  	v20 =	vld.idx.msk [tilespmem:v19+s2+$0x0], $0xffff  }
0x71: {  	s22 =	sadd.s32 $0x20, s22;
	v26 =	vadd.s32 $0x6, v21;
	v19 =	vmul.f32 v30, v8;
	v29 =	vld.idx.msk [tilespmem:v18+s2+$0x0], $0xffff;
	v18 =	vmul.f32 v23, v7;
	[tilespmem:s21+$0xFFFFFFF0] =	vst v22  }
0x72: {  	s23 =	sadd.s32 $0x20, s23;
	v22 =	vmul.u32 $0x9, v27;
	v27 =	vadd.s32 $0x3, v21;
	v36 =	vld [tilespmem:s22+$0x0]  }
0x73: {  	s25 =	sadd.s32 $0x20, s25;
	v30 =	vadd.s32 $0x2, v9;
	v28 =	vmul.f32 v28, v6;
	v33 =	vld [tilespmem:s23+$0x0];
	v23 =	vadd.f32 v19, v18  }
0x74: {  	v38 =	vadd.s32 $0x5, v9;
	v32 =	vadd.s32 $0x3, v22;
	v34 =	vadd.s32 $0x6, v22;
	v35 =	vld [tilespmem:s25+$0x0]  }
0x75: {  	v19 =	vadd.s32 $0x1, v22;
	v18 =	vadd.s32 $0x4, v22;
	v39 =	vld.idx.msk [tilespmem:v21+s2+$0x0], $0xffff;
	v28 =	vadd.f32 v28, v23  }
0x76: {  	v42 =	vadd.s32 $0x8, v9;
	v9 =	vmovc v21;
	s21 =	sadd.s32 $0x20, s21;
	v40 =	vadd.s32 $0x7, v22;
	v41 =	vld.idx.msk [tilespmem:v26+s2+$0x0], $0xffff;
	v26 =	vmul.f32 v20, v3  }
0x77: {  	v23 =	vadd.s32 $0x2, v22;
	v21 =	vadd.s32 $0x5, v22;
	v29 =	vmul.f32 v29, v15;
	v27 =	vld.idx.msk [tilespmem:v27+s2+$0x0], $0xffff;
	[tilespmem:s21+$0x0] =	vst v28  }
0x78: {  	v20 =	vadd.s32 $0x8, v22;
	v28 =	vld.idx.msk [tilespmem:v30+s2+$0x0], $0xffff;
	v30 =	vmul.f32 v31, v0;
	v31 =	vmul.f32 v25, v2;
	v0 =	vmovc v5  }
0x79: {  	v25 =	vadd.f32 v29, v26;
	v5 =	vmovc v15;
	v2 =	vmov v4;
	v4 =	vmov v16;
	v29 =	vld.idx.msk [tilespmem:v38+s2+$0x0], $0xffff  }
0x7a: {  	v26 =	vld.idx.msk [tilespmem:v32+s2+$0x0], $0xffff;
	v15 =	vadd.f32 v30, v24  }
0x7b: {  	v24 =	vld.idx.msk [tilespmem:v42+s2+$0x0], $0xffff  }
0x7c: {  	v38 =	vld.idx.msk [tilespmem:v22+s2+$0x0], $0xffff;
	v16 =	vadd.f32 v31, v15  }
0x7d: {  	v32 =	vmul.f32 v39, v33;
	v27 =	vmul.f32 v27, v35;
	v22 =	vld [tilespmem:s23+$0xFFFFFFF0]  }
.Ltmp0:
0x7e: {  	v39 =	vmul.f32 v41, v36;
	v31 =	vadd.s32 $0x1, v9;
	v15 =	vld [tilespmem:s25+$0xFFFFFFF0];
	[tilespmem:s26+$0xFFFFFFF0] =	vst v16;
	s26 =	smov.u32 s24;
	(pc) =	sbr.rel @p0 .LBB2_2-.Ltmp0, $4  }
0x7f: {  	v28 =	vmul.f32 v28, v7;
	v27 =	vadd.f32 v27, v32;
	v41 =	vmul.f32 v29, v8;
	v30 =	vld.idx.msk [tilespmem:v34+s2+$0x0], $0xffff  }
0x80: {  	v7 =	vmov v33;
	v32 =	vadd.s32 $0x4, v9;
	v8 =	vmov v35;
	v16 =	vld [tilespmem:s22+$0xFFFFFFF0]  }
0x81: {  	v34 =	vadd.f32 v39, v27;
	v27 =	vadd.f32 v41, v28;
	v28 =	vmul.f32 v24, v6;
	v29 =	vld.idx.msk [tilespmem:v17+s2+$0x0], $0xffff  }
0x82: {  	s30 =	sadd.s32 $0x20, s30;
	s29 =	sadd.s32 $0x20, s29;
	v33 =	vadd.s32 $0x7, v9;
	v6 =	vmovc v36;
	v17 =	vmovc v40;
	v35 =	vmul.f32 v38, v22;
	v24 =	vld.idx.msk [tilespmem:v12+s2+$0x0], $0xffff;
	v12 =	vmov v37  }
0x83: {  	v26 =	vmul.f32 v26, v15;
	_ =	sdelay $0x1  }
0x84: {  	v26 =	vadd.f32 v26, v35;
	v30 =	vmul.f32 v30, v16  }
0x85: {  	[tilespmem:s29+$0x0] =	vst v34  }
0x86: {  	v31 =	vld.idx.msk [tilespmem:v31+s2+$0x0], $0xffff;
	v26 =	vadd.f32 v30, v26  }
0x87: {  	v32 =	vld.idx.msk [tilespmem:v32+s2+$0x0], $0xffff  }
0x88: {  	v39 =	vld.idx.msk [tilespmem:v33+s2+$0x0], $0xffff;
	[tilespmem:s29+$0xFFFFFFF0] =	vst v26  }
0x89: {  	v19 =	vld.idx.msk [tilespmem:v19+s2+$0x0], $0xffff  }
0x8a: {  	v18 =	vld.idx.msk [tilespmem:v18+s2+$0x0], $0xffff;
	_ =	sdelay $0x1  }
0x8b: {  	v29 =	vmul.f32 v29, v4;
	v17 =	vld.idx.msk [tilespmem:v17+s2+$0x0], $0xffff  }
0x8c: {  	v40 =	vmul.f32 v31, v7;
	v41 =	vmul.f32 v32, v8  }
0x8d: {  	v42 =	vadd.s32 $0x2, v9;
	v25 =	vadd.f32 v29, v25;
	v30 =	vmul.f32 v39, v6  }
0x8e: {  	v10 =	vld.idx.msk [tilespmem:v10+s2+$0x0], $0xffff;
	v26 =	vadd.f32 v41, v40;
	v19 =	vmul.f32 v19, v22;
	v18 =	vmul.f32 v18, v15  }
0x8f: {  	v43 =	vadd.s32 $0x5, v9;
	v13 =	vld.idx.msk [tilespmem:v13+s2+$0x0], $0xffff;
	[tilespmem:s21+$0xFFFFFFF0] =	vst v25  }
0x90: {  	v12 =	vld.idx.msk [tilespmem:v12+s2+$0x0], $0xffff;
	v26 =	vadd.f32 v30, v26;
	v17 =	vmul.f32 v17, v16;
	v18 =	vadd.f32 v18, v19  }
0x91: {  	s22 =	sadd.s32 $0x20, s21;
	v14 =	vld.idx.msk [tilespmem:v14+s2+$0x0], $0xffff  }
0x92: {  	v44 =	vadd.s32 $0x8, v9;
	v47 =	vld.idx.msk [tilespmem:v11+s2+$0x0], $0xffff;
	[tilespmem:s22+$0x0] =	vst v26;
	v17 =	vadd.f32 v17, v18  }
0x93: {  	v26 =	vld.idx.msk [tilespmem:v42+s2+$0x0], $0xffff  }
0x94: {  	v45 =	vld.idx.msk [tilespmem:v43+s2+$0x0], $0xffff;
	[tilespmem:s22+$0xFFFFFFF0] =	vst v17  }
0x95: {  	v17 =	vld.idx.msk [tilespmem:v23+s2+$0x0], $0xffff  }
0x96: {  	v46 =	vld.idx.msk [tilespmem:v21+s2+$0x0], $0xffff  }
0x97: {  	v1 =	vmul.f32 v24, v1;
	v0 =	vmul.f32 v10, v0;
	v9 =	vld.idx.msk [tilespmem:v44+s2+$0x0], $0xffff  }
0x98: {  	v2 =	vmul.f32 v13, v2;
	v53 =	vmul.f32 v12, v3;
	v49 =	vld.idx.msk [tilespmem:v20+s2+$0x0], $0xffff  }
0x99: {  	v50 =	vadd.f32 v28, v27;
	v54 =	vmul.f32 v14, v5;
	v58 =	vmul.f32 v47, v4  }
0x9a: {  	v0 =	vadd.f32 v0, v1;
	v48 =	vmul.f32 v26, v7;
	v51 =	vmul.f32 v45, v8  }
0x9b: {  	v1 =	vadd.f32 v54, v53;
	v56 =	vmul.f32 v17, v22;
	v57 =	vmul.f32 v46, v15  }
0x9c: {  	s30 =	sadd.s32 $0x20, s24;
	v0 =	vadd.f32 v2, v0;
	v52 =	vmul.f32 v9, v6;
	v55 =	vadd.f32 v51, v48  }
0x9d: {  	[tilespmem:s30+$0x0] =	vst v50;
	v62 =	vadd.f32 v58, v1;
	v60 =	vmul.f32 v49, v16;
	v61 =	vadd.f32 v57, v56  }
0x9e: {  	[tilespmem:s26+$0xFFFFFFF0] =	vst v0;
	v59 =	vadd.f32 v52, v55  }
0x9f: {  	s31 =	sadd.s32 $0x20, s30;
	[tilespmem:s30+$0xFFFFFFF0] =	vst v62;
	v63 =	vadd.f32 v60, v61  }
0xa0: {  	[tilespmem:s31+$0x0] =	vst v59  }
0xa1: {  	[tilespmem:s31+$0xFFFFFFF0] =	vst v63  }
0xa2: {  	[hbm4b:s8+s2] =	stream.linear.scatter [tilespmem:s17], [sflag:$0x1], $0xC40, $0x38;
	[tilespmem:$0x5A00] =	vst v63  }
0xa3: {  	_ = 	snop  }
0xa4: {  	[hbm4b:s9+s2] =	stream.linear.scatter [tilespmem:s18], [sflag:$0x1], $0xC40, $0x38;
	[tilespmem:$0x5A00] =	vst v63  }
0xa5: {  	_ = 	snop  }
0xa6: {  	[hbm4b:s10+s2] =	stream.linear.scatter [tilespmem:s19], [sflag:$0x1], $0xC40, $0x38;
	[tilespmem:$0x5A00] =	vst v63  }
0xa7: {  	_ =	swait.ge [sflag:s16], $0xC40  }
0xa8: {  	[sflag:s16] =	ssyncset.done $0x0  }
0xa9: {  	s20 =	sadd.s32 $0x1, s20;
	[sflag:s16] =	ssyncadd.s32 $0xFFFFF3C0  }
0xaa: {  	p0 =	sne.s32 s20, s11;
	_ =	swait.ge [sflag:s16], $0xC40  }
.Ltmp1:
0xab: {  	[sflag:s16] =	ssyncset.done $0x0;
	(pc) =	sbr.rel @p0 .LBB2_1-.Ltmp1, $4  }
0xac: {  	[sflag:s16] =	ssyncadd.s32 $0xFFFFF3C0  }
0xad: {  	_ =	swait.ge [sflag:s16], $0xC40  }
0xae: {  	[sflag:s16] =	ssyncset.done $0x0  }
0xaf: {  	[sflag:s16] =	ssyncadd.s32 $0xFFFFF3C0  }
0xb0: {  	_ =	sfence.sel $0x180000  }
0xb1: {  	[bflag:$0x0] =	sbarrier.arrive $0xFFFF  }
0xb2: {  	p0 =	sne.s32 s0, $0x0;
	_ =	strace $0x90000047  }
0xb3: {  	s0 =	sadd.s32 @!p0 $0x100000, s1;
	[bflag:$0x2] =	sbarrier.arrive $0xFFFF  }
0xb4: {  	[sflag:s0] =	ssyncadd.tile.s32 @!p0 $0x1;
	_ =	shalt  }
.Lfunc_end2:
_tile_overlayer_lowered:
.L_overlay_start_2:
0xb5: {  	(tag) =	ssettag $0x2  }
0xb6: {  	s0 =	rddreg [dreg:$0x0];
	s2 =	stileid.u32  }
0xb7: {  	s1 =	rddreg [dreg:$0x1];
	p0 =	sne.s32 s2, $0x0  }
0xb8: {  	s3 =	rddreg [dreg:$0x2];
	[bflag:$0x3] =	sbarrier.arrive $0xFFFF;
	s2 =	simm.s32 @!p0 $0x1C02  }
0xb9: {  	[timem:s3], [sflag:s2] =	dma.local @!p0 [hbm:s0], s1  }
0xba: {  	s0 =	simm.s32 @!p0 $0x2  }
0xbb: {  	_ =	swait.ge @!p0 [sflag:s0], s1  }
0xbc: {  	s1 =	ssub.s32 @!p0 $0x0, s1;
	[sflag:s0] =	ssyncset.done @!p0 $0x0  }
0xbd: {  	[sflag:s0] =	ssyncadd.s32 @!p0 s1  }
0xbe: {  	[bflag:$0x3] =	sbarrier.arrive $0xFFFF  }
0xbf: {  	_ =	shalt  }

</sc_bundles>
